<compile_context>
chip_gen: v7x
topology: tpu7x:2x2x1
jax: 0.10.2.dev20260603
libtpu: 0.0.44.dev20260713+nightly
codegen_flags: <defaults>
</compile_context>

<pallas_src>
import functools

import jax
import jax.numpy as jnp
from jax import lax
from jax.experimental import pallas as pl
from jax.experimental.pallas import tpu as pltpu
from jax.experimental.pallas import tpu_sc as plsc

D_MODEL = 64
PADW = 128
SCALE = 8.0
NUM_CORES = 2
NUM_SUBCORES = 16
NUM_WORKERS = NUM_CORES * NUM_SUBCORES
LANES = 16
CHUNK = 256

B = 4096
L = 200
N_ROWS = B * L
ROWS_PER_W = N_ROWS // NUM_WORKERS
N_CHUNKS = ROWS_PER_W // CHUNK


@jax.jit
def _emb_lookup(idx_flat, table):
    mesh = plsc.VectorSubcoreMesh(core_axis_name="c", subcore_axis_name="s")

    @functools.partial(
        pl.kernel,
        mesh=mesh,
        out_type=jax.ShapeDtypeStruct((N_ROWS, PADW), jnp.float32),
        scratch_types=[
            pltpu.VMEM((ROWS_PER_W,), jnp.int32),
            [pltpu.VMEM((CHUNK, D_MODEL), jnp.float32) for _ in range(2)],
            [pltpu.VMEM((CHUNK, PADW), jnp.float32) for _ in range(2)],
            [pltpu.SemaphoreType.DMA for _ in range(2)],
            [pltpu.SemaphoreType.DMA for _ in range(2)],
        ],
        compiler_params=pltpu.CompilerParams(
            use_tc_tiling_on_sc=False, needs_layout_passes=False
        ),
    )
    def k(idx_hbm, table_hbm, out_hbm, idx_v, gbufs, sbufs, sem_g, sem_w):
        wid = lax.axis_index("s") * NUM_CORES + lax.axis_index("c")
        base = wid * ROWS_PER_W
        pltpu.sync_copy(idx_hbm.at[pl.ds(base, ROWS_PER_W)], idx_v)

        def fire_gather(g, b):
            pltpu.async_copy(
                table_hbm.at[idx_v.at[pl.ds(g * CHUNK, CHUNK)]], gbufs[b], sem_g[b]
            )

        def wait_gather(g, b):
            pltpu.make_async_copy(
                table_hbm.at[idx_v.at[pl.ds(g * CHUNK, CHUNK)]], gbufs[b], sem_g[b]
            ).wait()

        def fire_write(g, b):
            pltpu.async_copy(
                sbufs[b], out_hbm.at[pl.ds(base + g * CHUNK, CHUNK)], sem_w[b]
            )

        def wait_write(g, b):
            pltpu.make_async_copy(
                sbufs[b], out_hbm.at[pl.ds(base + g * CHUNK, CHUNK)], sem_w[b]
            ).wait()

        fire_gather(0, 0)

        def round_body(r, carry):
            for j in range(2):
                g = r * 2 + j
                wait_gather(g, j)

                @pl.when(g + 1 < N_CHUNKS)
                def _():
                    fire_gather(g + 1, 1 - j)

                @pl.when(g >= 2)
                def _():
                    wait_write(g - 2, j)

                gb, sb = gbufs[j], sbufs[j]

                @plsc.parallel_loop(0, CHUNK, 1, unroll=4)
                def _scale(row):
                    for kk in range(D_MODEL // LANES):
                        sl = pl.ds(kk * LANES, LANES)
                        sb[row, sl] = gb[row, sl] * SCALE

                fire_write(g, j)

            return carry

        lax.fori_loop(0, N_CHUNKS // 2, round_body, 0)
        wait_write(N_CHUNKS - 2, 0)
        wait_write(N_CHUNKS - 1, 1)

    return k(idx_flat, table)


def kernel(x, table):
    b, l = x.shape
    idx_flat = x.reshape(b * l).astype(jnp.int32)
    raw = _emb_lookup(idx_flat, table)
    return raw.reshape(b, l, PADW)[:, :, :D_MODEL]

# --- scband reference (transcript-rebuilt; emitter-appended) ---
"""Pipeline reference for scband-embedding-layer-3058016715060 (READ-ONLY COPY).

The authoritative reference and input builder live on the scoring server;
editing this copy changes nothing except your own understanding.
"""

import jax, jax.numpy as jnp
import numpy as np
import math

VOCAB = 1000000
D_MODEL = 64
B = 4096
L = 200

def setup_inputs(seed: int = 0) -> dict:
    key = jax.random.key(seed)
    k1, k2 = jax.random.split(key)
    x = jax.random.randint(k1, (B, L), 0, VOCAB, dtype=jnp.int64 if jax.config.jax_enable_x64 else jnp.int32)
    # nn.Embedding default init: N(0, 1)
    table = jax.random.normal(k2, (VOCAB, D_MODEL), dtype=jnp.float32)
    return {"x": x, "table": table}

def reference(x, table):
    # Embedding lookup; dropout is identity at inference (eval mode).
    emb = jnp.take(table, x, axis=0)
    return emb * math.sqrt(float(D_MODEL))

if __name__ == "__main__":
    import jax
    _d = setup_inputs()
    print(jax.jit(kernel)(*tuple(_d.values())))

</pallas_src>

<mosaic_0001>
#map = affine_map<(d0, d1) -> (0)>
#map1 = affine_map<(d0, d1) -> (0, 0)>
module attributes {stable_mosaic.version = 14 : i64} {
  func.func @k(%arg0: i32, %arg1: i32, %arg2: memref<819200xi32, #tpu.memory_space<hbm>>, %arg3: memref<1000000x64xf32, #tpu.memory_space<hbm>>, %arg4: memref<819200x128xf32, #tpu.memory_space<hbm>>, %arg5: memref<25600xi32, #tpu.memory_space<vmem>>, %arg6: memref<256x64xf32, #tpu.memory_space<vmem>>, %arg7: memref<256x64xf32, #tpu.memory_space<vmem>>, %arg8: memref<256x128xf32, #tpu.memory_space<vmem>>, %arg9: memref<256x128xf32, #tpu.memory_space<vmem>>, %arg10: memref<!tpu.dma_semaphore, #tpu.memory_space<semaphore_mem>>, %arg11: memref<!tpu.dma_semaphore, #tpu.memory_space<semaphore_mem>>, %arg12: memref<!tpu.dma_semaphore, #tpu.memory_space<semaphore_mem>>, %arg13: memref<!tpu.dma_semaphore, #tpu.memory_space<semaphore_mem>>) attributes {dimension_semantics = [#tpu.dimension_semantics<core_parallel>, #tpu.dimension_semantics<subcore_parallel>], iteration_bounds = array<i64: 2, 16>, scalar_prefetch = 0 : i64, scratch_operands = 9 : i64, tpu.core_type = #tpu.core_type<sc_vector_subcore>, window_params = [{transform_indices = #map}, {transform_indices = #map1}, {transform_indices = #map1}]} {
    %mul3A = arith.constant 2 : i32
    %mul3A_0 = arith.muli %arg1, %mul3A : i32
    %add3A = arith.addi %mul3A_0, %arg0 : i32
    %mul3A_1 = arith.constant 25600 : i32
    %mul3A_2 = arith.muli %add3A, %mul3A_1 : i32
    "tpu.region"() ({
      %run_scoped3A = tpu.sem_alloc : memref<!tpu.dma_semaphore, #tpu.memory_space<semaphore_mem>>
      %dma_start3A_23 = tpu.memref_slice %arg2[%mul3A_2] : memref<819200xi32, #tpu.memory_space<hbm>> -> memref<25600xi32, #tpu.memory_space<hbm>>
      %dma_start3A_24 = tpu.memref_slice %arg2[%mul3A_2] : memref<819200xi32, #tpu.memory_space<hbm>> -> memref<25600xi32, #tpu.memory_space<hbm>>
      tpu.enqueue_dma source(%dma_start3A_24 : memref<25600xi32, #tpu.memory_space<hbm>>) target(%arg5 : memref<25600xi32, #tpu.memory_space<vmem>>) target_semaphore(%run_scoped3A : memref<!tpu.dma_semaphore, #tpu.memory_space<semaphore_mem>>)
      %dma_wait3A_25 = tpu.memref_slice %arg2[%mul3A_2] : memref<819200xi32, #tpu.memory_space<hbm>> -> memref<25600xi32, #tpu.memory_space<hbm>>
      %dma_wait3A_26 = tpu.memref_slice %arg2[%mul3A_2] : memref<819200xi32, #tpu.memory_space<hbm>> -> memref<25600xi32, #tpu.memory_space<hbm>>
      tpu.wait_dma2 semaphore(%run_scoped3A : memref<!tpu.dma_semaphore, #tpu.memory_space<semaphore_mem>>) src(%dma_wait3A_26 : memref<25600xi32, #tpu.memory_space<hbm>>) dst(%arg5 : memref<25600xi32, #tpu.memory_space<vmem>>)
      tpu.yield
    }) : () -> ()
    %dma_start3A = arith.constant 0 : i32
    %dma_start3A_3 = tpu.memref_slice %arg5[%dma_start3A] : memref<25600xi32, #tpu.memory_space<vmem>> -> memref<256xi32, #tpu.memory_space<vmem>>
    %dma_start3A_4 = arith.constant 0 : i32
    %dma_start3A_5 = arith.constant 0 : i32
    %dma_start3A_6 = tpu.memref_slice %arg3[%dma_start3A_4, %dma_start3A_5] : memref<1000000x64xf32, #tpu.memory_space<hbm>> -> memref<1000000x64xf32, #tpu.memory_space<hbm>>
    tpu.enqueue_indirect_dma source(%dma_start3A_6 : memref<1000000x64xf32, #tpu.memory_space<hbm>>) target(%arg6 : memref<256x64xf32, #tpu.memory_space<vmem>>) offsets(%dma_start3A_3 : memref<256xi32, #tpu.memory_space<vmem>>) semaphore(%arg10 : memref<!tpu.dma_semaphore, #tpu.memory_space<semaphore_mem>>)
    %scan3A = arith.constant 0 : i32
    %scan3A_7 = arith.constant 0 : i32
    %scan3A_8 = arith.constant 50 : i32
    %scan3A_9 = arith.addi %scan3A_7, %scan3A_8 : i32
    %scan3A_10 = arith.constant 1 : i32
    scf.for %scan3A_23 = %scan3A_7 to %scan3A_9 step %scan3A_10  : i32 {
      %mul3A_24 = arith.constant 2 : i32
      %mul3A_25 = arith.muli %scan3A_23, %mul3A_24 : i32
      %add3A_26 = arith.constant 0 : i32
      %add3A_27 = arith.addi %mul3A_25, %add3A_26 : i32
      %mul3A_28 = arith.constant 256 : i32
      %mul3A_29 = arith.muli %add3A_27, %mul3A_28 : i32
      %dma_wait3A_30 = tpu.memref_slice %arg5[%mul3A_29] : memref<25600xi32, #tpu.memory_space<vmem>> -> memref<256xi32, #tpu.memory_space<vmem>>
      %dma_wait3A_31 = arith.constant 0 : i32
      %dma_wait3A_32 = arith.constant 0 : i32
      %dma_wait3A_33 = tpu.memref_slice %arg3[%dma_wait3A_31, %dma_wait3A_32] : memref<1000000x64xf32, #tpu.memory_space<hbm>> -> memref<1000000x64xf32, #tpu.memory_space<hbm>>
      tpu.wait_indirect_dma semaphore(%arg10 : memref<!tpu.dma_semaphore, #tpu.memory_space<semaphore_mem>>) src(%dma_wait3A_33 : memref<1000000x64xf32, #tpu.memory_space<hbm>>) dst(%arg6 : memref<256x64xf32, #tpu.memory_space<vmem>>)
      %add3A_34 = arith.constant 1 : i32
      %add3A_35 = arith.addi %add3A_27, %add3A_34 : i32
      %lt3A = arith.constant 100 : i32
      %lt3A_36 = arith.cmpi slt, %add3A_35, %lt3A : i32
      %convert_element_type3A = arith.extui %lt3A_36 : i1 to i32
      %cond3A = arith.constant 0 : i32
      %cond3A_37 = arith.cmpi ne, %convert_element_type3A, %cond3A : i32
      scf.if %cond3A_37 {
        %add3A_83 = arith.constant 1 : i32
        %add3A_84 = arith.addi %add3A_27, %add3A_83 : i32
        %mul3A_85 = arith.constant 256 : i32
        %mul3A_86 = arith.muli %add3A_84, %mul3A_85 : i32
        %dma_start3A_87 = tpu.memref_slice %arg5[%mul3A_86] : memref<25600xi32, #tpu.memory_space<vmem>> -> memref<256xi32, #tpu.memory_space<vmem>>
        %dma_start3A_88 = arith.constant 0 : i32
        %dma_start3A_89 = arith.constant 0 : i32
        %dma_start3A_90 = tpu.memref_slice %arg3[%dma_start3A_88, %dma_start3A_89] : memref<1000000x64xf32, #tpu.memory_space<hbm>> -> memref<1000000x64xf32, #tpu.memory_space<hbm>>
        tpu.enqueue_indirect_dma source(%dma_start3A_90 : memref<1000000x64xf32, #tpu.memory_space<hbm>>) target(%arg7 : memref<256x64xf32, #tpu.memory_space<vmem>>) offsets(%dma_start3A_87 : memref<256xi32, #tpu.memory_space<vmem>>) semaphore(%arg11 : memref<!tpu.dma_semaphore, #tpu.memory_space<semaphore_mem>>)
      } else {
      }
      %ge3A = arith.constant 2 : i32
      %ge3A_38 = arith.cmpi sge, %add3A_27, %ge3A : i32
      %convert_element_type3A_39 = arith.extui %ge3A_38 : i1 to i32
      %cond3A_40 = arith.constant 0 : i32
      %cond3A_41 = arith.cmpi ne, %convert_element_type3A_39, %cond3A_40 : i32
      scf.if %cond3A_41 {
        %sub3A = arith.constant 2 : i32
        %sub3A_83 = arith.subi %add3A_27, %sub3A : i32
        %mul3A_84 = arith.constant 256 : i32
        %mul3A_85 = arith.muli %sub3A_83, %mul3A_84 : i32
        %add3A_86 = arith.addi %mul3A_2, %mul3A_85 : i32
        %dma_wait3A_87 = arith.constant 0 : i32
        %dma_wait3A_88 = tpu.memref_slice %arg4[%add3A_86, %dma_wait3A_87] : memref<819200x128xf32, #tpu.memory_space<hbm>> -> memref<256x128xf32, #tpu.memory_space<hbm>>
        %dma_wait3A_89 = arith.constant 0 : i32
        %dma_wait3A_90 = tpu.memref_slice %arg4[%add3A_86, %dma_wait3A_89] : memref<819200x128xf32, #tpu.memory_space<hbm>> -> memref<256x128xf32, #tpu.memory_space<hbm>>
        tpu.wait_dma2 semaphore(%arg12 : memref<!tpu.dma_semaphore, #tpu.memory_space<semaphore_mem>>) src(%arg8 : memref<256x128xf32, #tpu.memory_space<vmem>>) dst(%dma_wait3A_90 : memref<256x128xf32, #tpu.memory_space<hbm>>)
      } else {
      }
      %parallel_loop3A = arith.constant 0 : i32
      %parallel_loop3A_42 = arith.constant 256 : i32
      %parallel_loop3A_43 = arith.constant 1 : i32
      scf.for %parallel_loop3A_83 = %parallel_loop3A to %parallel_loop3A_42 step %parallel_loop3A_43  : i32 {
        %parallel_loop3A_84 = arith.index_cast %parallel_loop3A_83 : i32 to index
        %parallel_loop3A_85 = arith.constant 0 : index
        %parallel_loop3A_86 = tpu.vector_load %arg6[%parallel_loop3A_84, %parallel_loop3A_85] {strides = array<i32>} : memref<256x64xf32, #tpu.memory_space<vmem>>, vector<16xf32>,
        %parallel_loop3A_87 = arith.constant 8.000000e+00 : f32
        %parallel_loop3A_88 = vector.broadcast %parallel_loop3A_87 : f32 to vector<16xf32>
        %parallel_loop3A_89 = arith.mulf %parallel_loop3A_86, %parallel_loop3A_88 : vector<16xf32>
        %parallel_loop3A_90 = arith.index_cast %parallel_loop3A_83 : i32 to index
        %parallel_loop3A_91 = arith.constant 0 : index
        %parallel_loop3A_92 = tpu.vector_load %arg8[%parallel_loop3A_90, %parallel_loop3A_91] {strides = array<i32>} : memref<256x128xf32, #tpu.memory_space<vmem>>, vector<16xf32>,
        tpu.vector_store %arg8[%parallel_loop3A_90, %parallel_loop3A_91], %parallel_loop3A_89 {strides = array<i32>} : memref<256x128xf32, #tpu.memory_space<vmem>>, vector<16xf32>,
        %parallel_loop3A_93 = arith.index_cast %parallel_loop3A_83 : i32 to index
        %parallel_loop3A_94 = arith.constant 16 : index
        %parallel_loop3A_95 = tpu.vector_load %arg6[%parallel_loop3A_93, %parallel_loop3A_94] {strides = array<i32>} : memref<256x64xf32, #tpu.memory_space<vmem>>, vector<16xf32>,
        %parallel_loop3A_96 = arith.constant 8.000000e+00 : f32
        %parallel_loop3A_97 = vector.broadcast %parallel_loop3A_96 : f32 to vector<16xf32>
        %parallel_loop3A_98 = arith.mulf %parallel_loop3A_95, %parallel_loop3A_97 : vector<16xf32>
        %parallel_loop3A_99 = arith.index_cast %parallel_loop3A_83 : i32 to index
        %parallel_loop3A_100 = arith.constant 16 : index
        %parallel_loop3A_101 = tpu.vector_load %arg8[%parallel_loop3A_99, %parallel_loop3A_100] {strides = array<i32>} : memref<256x128xf32, #tpu.memory_space<vmem>>, vector<16xf32>,
        tpu.vector_store %arg8[%parallel_loop3A_99, %parallel_loop3A_100], %parallel_loop3A_98 {strides = array<i32>} : memref<256x128xf32, #tpu.memory_space<vmem>>, vector<16xf32>,
        %parallel_loop3A_102 = arith.index_cast %parallel_loop3A_83 : i32 to index
        %parallel_loop3A_103 = arith.constant 32 : index
        %parallel_loop3A_104 = tpu.vector_load %arg6[%parallel_loop3A_102, %parallel_loop3A_103] {strides = array<i32>} : memref<256x64xf32, #tpu.memory_space<vmem>>, vector<16xf32>,
        %parallel_loop3A_105 = arith.constant 8.000000e+00 : f32
        %parallel_loop3A_106 = vector.broadcast %parallel_loop3A_105 : f32 to vector<16xf32>
        %parallel_loop3A_107 = arith.mulf %parallel_loop3A_104, %parallel_loop3A_106 : vector<16xf32>
        %parallel_loop3A_108 = arith.index_cast %parallel_loop3A_83 : i32 to index
        %parallel_loop3A_109 = arith.constant 32 : index
        %parallel_loop3A_110 = tpu.vector_load %arg8[%parallel_loop3A_108, %parallel_loop3A_109] {strides = array<i32>} : memref<256x128xf32, #tpu.memory_space<vmem>>, vector<16xf32>,
        tpu.vector_store %arg8[%parallel_loop3A_108, %parallel_loop3A_109], %parallel_loop3A_107 {strides = array<i32>} : memref<256x128xf32, #tpu.memory_space<vmem>>, vector<16xf32>,
        %parallel_loop3A_111 = arith.index_cast %parallel_loop3A_83 : i32 to index
        %parallel_loop3A_112 = arith.constant 48 : index
        %parallel_loop3A_113 = tpu.vector_load %arg6[%parallel_loop3A_111, %parallel_loop3A_112] {strides = array<i32>} : memref<256x64xf32, #tpu.memory_space<vmem>>, vector<16xf32>,
        %parallel_loop3A_114 = arith.constant 8.000000e+00 : f32
        %parallel_loop3A_115 = vector.broadcast %parallel_loop3A_114 : f32 to vector<16xf32>
        %parallel_loop3A_116 = arith.mulf %parallel_loop3A_113, %parallel_loop3A_115 : vector<16xf32>
        %parallel_loop3A_117 = arith.index_cast %parallel_loop3A_83 : i32 to index
        %parallel_loop3A_118 = arith.constant 48 : index
        %parallel_loop3A_119 = tpu.vector_load %arg8[%parallel_loop3A_117, %parallel_loop3A_118] {strides = array<i32>} : memref<256x128xf32, #tpu.memory_space<vmem>>, vector<16xf32>,
        tpu.vector_store %arg8[%parallel_loop3A_117, %parallel_loop3A_118], %parallel_loop3A_116 {strides = array<i32>} : memref<256x128xf32, #tpu.memory_space<vmem>>, vector<16xf32>,
      } {sc.loop_unroll_factor = 4 : i64, sc.parallel_access}
      %mul3A_44 = arith.constant 256 : i32
      %mul3A_45 = arith.muli %add3A_27, %mul3A_44 : i32
      %add3A_46 = arith.addi %mul3A_2, %mul3A_45 : i32
      %dma_start3A_47 = arith.constant 0 : i32
      %dma_start3A_48 = tpu.memref_slice %arg4[%add3A_46, %dma_start3A_47] : memref<819200x128xf32, #tpu.memory_space<hbm>> -> memref<256x128xf32, #tpu.memory_space<hbm>>
      %dma_start3A_49 = arith.constant 0 : i32
      %dma_start3A_50 = tpu.memref_slice %arg4[%add3A_46, %dma_start3A_49] : memref<819200x128xf32, #tpu.memory_space<hbm>> -> memref<256x128xf32, #tpu.memory_space<hbm>>
      tpu.enqueue_dma source(%arg8 : memref<256x128xf32, #tpu.memory_space<vmem>>) target(%dma_start3A_50 : memref<256x128xf32, #tpu.memory_space<hbm>>) target_semaphore(%arg12 : memref<!tpu.dma_semaphore, #tpu.memory_space<semaphore_mem>>)
      %mul3A_51 = arith.constant 2 : i32
      %mul3A_52 = arith.muli %scan3A_23, %mul3A_51 : i32
      %add3A_53 = arith.constant 1 : i32
      %add3A_54 = arith.addi %mul3A_52, %add3A_53 : i32
      %mul3A_55 = arith.constant 256 : i32
      %mul3A_56 = arith.muli %add3A_54, %mul3A_55 : i32
      %dma_wait3A_57 = tpu.memref_slice %arg5[%mul3A_56] : memref<25600xi32, #tpu.memory_space<vmem>> -> memref<256xi32, #tpu.memory_space<vmem>>
      %dma_wait3A_58 = arith.constant 0 : i32
      %dma_wait3A_59 = arith.constant 0 : i32
      %dma_wait3A_60 = tpu.memref_slice %arg3[%dma_wait3A_58, %dma_wait3A_59] : memref<1000000x64xf32, #tpu.memory_space<hbm>> -> memref<1000000x64xf32, #tpu.memory_space<hbm>>
      tpu.wait_indirect_dma semaphore(%arg11 : memref<!tpu.dma_semaphore, #tpu.memory_space<semaphore_mem>>) src(%dma_wait3A_60 : memref<1000000x64xf32, #tpu.memory_space<hbm>>) dst(%arg7 : memref<256x64xf32, #tpu.memory_space<vmem>>)
      %add3A_61 = arith.constant 1 : i32
      %add3A_62 = arith.addi %add3A_54, %add3A_61 : i32
      %lt3A_63 = arith.constant 100 : i32
      %lt3A_64 = arith.cmpi slt, %add3A_62, %lt3A_63 : i32
      %convert_element_type3A_65 = arith.extui %lt3A_64 : i1 to i32
      %cond3A_66 = arith.constant 0 : i32
      %cond3A_67 = arith.cmpi ne, %convert_element_type3A_65, %cond3A_66 : i32
      scf.if %cond3A_67 {
        %add3A_83 = arith.constant 1 : i32
        %add3A_84 = arith.addi %add3A_54, %add3A_83 : i32
        %mul3A_85 = arith.constant 256 : i32
        %mul3A_86 = arith.muli %add3A_84, %mul3A_85 : i32
        %dma_start3A_87 = tpu.memref_slice %arg5[%mul3A_86] : memref<25600xi32, #tpu.memory_space<vmem>> -> memref<256xi32, #tpu.memory_space<vmem>>
        %dma_start3A_88 = arith.constant 0 : i32
        %dma_start3A_89 = arith.constant 0 : i32
        %dma_start3A_90 = tpu.memref_slice %arg3[%dma_start3A_88, %dma_start3A_89] : memref<1000000x64xf32, #tpu.memory_space<hbm>> -> memref<1000000x64xf32, #tpu.memory_space<hbm>>
        tpu.enqueue_indirect_dma source(%dma_start3A_90 : memref<1000000x64xf32, #tpu.memory_space<hbm>>) target(%arg6 : memref<256x64xf32, #tpu.memory_space<vmem>>) offsets(%dma_start3A_87 : memref<256xi32, #tpu.memory_space<vmem>>) semaphore(%arg10 : memref<!tpu.dma_semaphore, #tpu.memory_space<semaphore_mem>>)
      } else {
      }
      %ge3A_68 = arith.constant 2 : i32
      %ge3A_69 = arith.cmpi sge, %add3A_54, %ge3A_68 : i32
      %convert_element_type3A_70 = arith.extui %ge3A_69 : i1 to i32
      %cond3A_71 = arith.constant 0 : i32
      %cond3A_72 = arith.cmpi ne, %convert_element_type3A_70, %cond3A_71 : i32
      scf.if %cond3A_72 {
        %sub3A = arith.constant 2 : i32
        %sub3A_83 = arith.subi %add3A_54, %sub3A : i32
        %mul3A_84 = arith.constant 256 : i32
        %mul3A_85 = arith.muli %sub3A_83, %mul3A_84 : i32
        %add3A_86 = arith.addi %mul3A_2, %mul3A_85 : i32
        %dma_wait3A_87 = arith.constant 0 : i32
        %dma_wait3A_88 = tpu.memref_slice %arg4[%add3A_86, %dma_wait3A_87] : memref<819200x128xf32, #tpu.memory_space<hbm>> -> memref<256x128xf32, #tpu.memory_space<hbm>>
        %dma_wait3A_89 = arith.constant 0 : i32
        %dma_wait3A_90 = tpu.memref_slice %arg4[%add3A_86, %dma_wait3A_89] : memref<819200x128xf32, #tpu.memory_space<hbm>> -> memref<256x128xf32, #tpu.memory_space<hbm>>
        tpu.wait_dma2 semaphore(%arg13 : memref<!tpu.dma_semaphore, #tpu.memory_space<semaphore_mem>>) src(%arg9 : memref<256x128xf32, #tpu.memory_space<vmem>>) dst(%dma_wait3A_90 : memref<256x128xf32, #tpu.memory_space<hbm>>)
      } else {
      }
      %parallel_loop3A_73 = arith.constant 0 : i32
      %parallel_loop3A_74 = arith.constant 256 : i32
      %parallel_loop3A_75 = arith.constant 1 : i32
      scf.for %parallel_loop3A_83 = %parallel_loop3A_73 to %parallel_loop3A_74 step %parallel_loop3A_75  : i32 {
        %parallel_loop3A_84 = arith.index_cast %parallel_loop3A_83 : i32 to index
        %parallel_loop3A_85 = arith.constant 0 : index
        %parallel_loop3A_86 = tpu.vector_load %arg7[%parallel_loop3A_84, %parallel_loop3A_85] {strides = array<i32>} : memref<256x64xf32, #tpu.memory_space<vmem>>, vector<16xf32>,
        %parallel_loop3A_87 = arith.constant 8.000000e+00 : f32
        %parallel_loop3A_88 = vector.broadcast %parallel_loop3A_87 : f32 to vector<16xf32>
        %parallel_loop3A_89 = arith.mulf %parallel_loop3A_86, %parallel_loop3A_88 : vector<16xf32>
        %parallel_loop3A_90 = arith.index_cast %parallel_loop3A_83 : i32 to index
        %parallel_loop3A_91 = arith.constant 0 : index
        %parallel_loop3A_92 = tpu.vector_load %arg9[%parallel_loop3A_90, %parallel_loop3A_91] {strides = array<i32>} : memref<256x128xf32, #tpu.memory_space<vmem>>, vector<16xf32>,
        tpu.vector_store %arg9[%parallel_loop3A_90, %parallel_loop3A_91], %parallel_loop3A_89 {strides = array<i32>} : memref<256x128xf32, #tpu.memory_space<vmem>>, vector<16xf32>,
        %parallel_loop3A_93 = arith.index_cast %parallel_loop3A_83 : i32 to index
        %parallel_loop3A_94 = arith.constant 16 : index
        %parallel_loop3A_95 = tpu.vector_load %arg7[%parallel_loop3A_93, %parallel_loop3A_94] {strides = array<i32>} : memref<256x64xf32, #tpu.memory_space<vmem>>, vector<16xf32>,
        %parallel_loop3A_96 = arith.constant 8.000000e+00 : f32
        %parallel_loop3A_97 = vector.broadcast %parallel_loop3A_96 : f32 to vector<16xf32>
        %parallel_loop3A_98 = arith.mulf %parallel_loop3A_95, %parallel_loop3A_97 : vector<16xf32>
        %parallel_loop3A_99 = arith.index_cast %parallel_loop3A_83 : i32 to index
        %parallel_loop3A_100 = arith.constant 16 : index
        %parallel_loop3A_101 = tpu.vector_load %arg9[%parallel_loop3A_99, %parallel_loop3A_100] {strides = array<i32>} : memref<256x128xf32, #tpu.memory_space<vmem>>, vector<16xf32>,
        tpu.vector_store %arg9[%parallel_loop3A_99, %parallel_loop3A_100], %parallel_loop3A_98 {strides = array<i32>} : memref<256x128xf32, #tpu.memory_space<vmem>>, vector<16xf32>,
        %parallel_loop3A_102 = arith.index_cast %parallel_loop3A_83 : i32 to index
        %parallel_loop3A_103 = arith.constant 32 : index
        %parallel_loop3A_104 = tpu.vector_load %arg7[%parallel_loop3A_102, %parallel_loop3A_103] {strides = array<i32>} : memref<256x64xf32, #tpu.memory_space<vmem>>, vector<16xf32>,
        %parallel_loop3A_105 = arith.constant 8.000000e+00 : f32
        %parallel_loop3A_106 = vector.broadcast %parallel_loop3A_105 : f32 to vector<16xf32>
        %parallel_loop3A_107 = arith.mulf %parallel_loop3A_104, %parallel_loop3A_106 : vector<16xf32>
        %parallel_loop3A_108 = arith.index_cast %parallel_loop3A_83 : i32 to index
        %parallel_loop3A_109 = arith.constant 32 : index
        %parallel_loop3A_110 = tpu.vector_load %arg9[%parallel_loop3A_108, %parallel_loop3A_109] {strides = array<i32>} : memref<256x128xf32, #tpu.memory_space<vmem>>, vector<16xf32>,
        tpu.vector_store %arg9[%parallel_loop3A_108, %parallel_loop3A_109], %parallel_loop3A_107 {strides = array<i32>} : memref<256x128xf32, #tpu.memory_space<vmem>>, vector<16xf32>,
        %parallel_loop3A_111 = arith.index_cast %parallel_loop3A_83 : i32 to index
        %parallel_loop3A_112 = arith.constant 48 : index
        %parallel_loop3A_113 = tpu.vector_load %arg7[%parallel_loop3A_111, %parallel_loop3A_112] {strides = array<i32>} : memref<256x64xf32, #tpu.memory_space<vmem>>, vector<16xf32>,
        %parallel_loop3A_114 = arith.constant 8.000000e+00 : f32
        %parallel_loop3A_115 = vector.broadcast %parallel_loop3A_114 : f32 to vector<16xf32>
        %parallel_loop3A_116 = arith.mulf %parallel_loop3A_113, %parallel_loop3A_115 : vector<16xf32>
        %parallel_loop3A_117 = arith.index_cast %parallel_loop3A_83 : i32 to index
        %parallel_loop3A_118 = arith.constant 48 : index
        %parallel_loop3A_119 = tpu.vector_load %arg9[%parallel_loop3A_117, %parallel_loop3A_118] {strides = array<i32>} : memref<256x128xf32, #tpu.memory_space<vmem>>, vector<16xf32>,
        tpu.vector_store %arg9[%parallel_loop3A_117, %parallel_loop3A_118], %parallel_loop3A_116 {strides = array<i32>} : memref<256x128xf32, #tpu.memory_space<vmem>>, vector<16xf32>,
      } {sc.loop_unroll_factor = 4 : i64, sc.parallel_access}
      %mul3A_76 = arith.constant 256 : i32
      %mul3A_77 = arith.muli %add3A_54, %mul3A_76 : i32
      %add3A_78 = arith.addi %mul3A_2, %mul3A_77 : i32
      %dma_start3A_79 = arith.constant 0 : i32
      %dma_start3A_80 = tpu.memref_slice %arg4[%add3A_78, %dma_start3A_79] : memref<819200x128xf32, #tpu.memory_space<hbm>> -> memref<256x128xf32, #tpu.memory_space<hbm>>
      %dma_start3A_81 = arith.constant 0 : i32
      %dma_start3A_82 = tpu.memref_slice %arg4[%add3A_78, %dma_start3A_81] : memref<819200x128xf32, #tpu.memory_space<hbm>> -> memref<256x128xf32, #tpu.memory_space<hbm>>
      tpu.enqueue_dma source(%arg9 : memref<256x128xf32, #tpu.memory_space<vmem>>) target(%dma_start3A_82 : memref<256x128xf32, #tpu.memory_space<hbm>>) target_semaphore(%arg13 : memref<!tpu.dma_semaphore, #tpu.memory_space<semaphore_mem>>)
    }
    %scan3A_11 = arith.constant 50 : i32
    %add3A_12 = arith.constant 25088 : i32
    %add3A_13 = arith.addi %mul3A_2, %add3A_12 : i32
    %dma_wait3A = arith.constant 0 : i32
    %dma_wait3A_14 = tpu.memref_slice %arg4[%add3A_13, %dma_wait3A] : memref<819200x128xf32, #tpu.memory_space<hbm>> -> memref<256x128xf32, #tpu.memory_space<hbm>>
    %dma_wait3A_15 = arith.constant 0 : i32
    %dma_wait3A_16 = tpu.memref_slice %arg4[%add3A_13, %dma_wait3A_15] : memref<819200x128xf32, #tpu.memory_space<hbm>> -> memref<256x128xf32, #tpu.memory_space<hbm>>
    tpu.wait_dma2 semaphore(%arg12 : memref<!tpu.dma_semaphore, #tpu.memory_space<semaphore_mem>>) src(%arg8 : memref<256x128xf32, #tpu.memory_space<vmem>>) dst(%dma_wait3A_16 : memref<256x128xf32, #tpu.memory_space<hbm>>)
    %add3A_17 = arith.constant 25344 : i32
    %add3A_18 = arith.addi %mul3A_2, %add3A_17 : i32
    %dma_wait3A_19 = arith.constant 0 : i32
    %dma_wait3A_20 = tpu.memref_slice %arg4[%add3A_18, %dma_wait3A_19] : memref<819200x128xf32, #tpu.memory_space<hbm>> -> memref<256x128xf32, #tpu.memory_space<hbm>>
    %dma_wait3A_21 = arith.constant 0 : i32
    %dma_wait3A_22 = tpu.memref_slice %arg4[%add3A_18, %dma_wait3A_21] : memref<819200x128xf32, #tpu.memory_space<hbm>> -> memref<256x128xf32, #tpu.memory_space<hbm>>
    tpu.wait_dma2 semaphore(%arg13 : memref<!tpu.dma_semaphore, #tpu.memory_space<semaphore_mem>>) src(%arg9 : memref<256x128xf32, #tpu.memory_space<vmem>>) dst(%dma_wait3A_22 : memref<256x128xf32, #tpu.memory_space<hbm>>)
    return
  }
}

</mosaic_0001>

<sc_bundles>
// kernel: _emb_lookup.3.cloned.1.call-start
scs
__scs_entry_jumppad:
0x0: {  	(pc) =	sbr.rel $0x88, $3  }
0x1: {  	(tag) =	ssettag $0x0;
	lr =	simm.s32 $0x1  }
0x2: {  	[smem:$0x3F9F] =	sst lr;
	_ =	strace $0xD0000000  }
0x3: {  	_ = 	snop  }
0x4: {  	_ = 	snop  }
0x5: {  	_ = 	snop  }
0x6: {  	_ = 	snop  }
0x7: {  	_ = 	snop  }
__scs_overlays_trampoline_lowered:
0x8: {  	[smem:$0x3FAE] =	sst s0  }
0x9: {  	[smem:$0x3FAF] =	sst s1  }
0xa: {  	[smem:$0x3FB0] =	sst s2  }
0xb: {  	[smem:$0x3FB1] =	sst s3  }
0xc: {  	[smem:$0x3FB2] =	sst s4  }
0xd: {  	[smem:$0x3FB3] =	sst s5  }
0xe: {  	[smem:$0x3FB4] =	sst s6  }
0xf: {  	[smem:$0x3FB5] =	sst s7  }
0x10: {  	[smem:$0x3FB6] =	sst s8  }
0x11: {  	[smem:$0x3FB7] =	sst s9;
	s0 =	simm.s32 @!p0 $0x0  }
0x12: {  	s1 =	sld [smem:$0x3F9D];
	s0 =	simm.s32 @p0 $0x1  }
0x13: {  	[smem:$0x3FB8] =	sst s0;
	s0 =	simm.s32 @!p1 $0x0  }
0x14: {  	s2 =	sld [smem:$0x3F9C];
	s0 =	simm.s32 @p1 $0x1  }
0x15: {  	[smem:$0x3FB9] =	sst s0;
	s0 =	simm.s32 @!p2 $0x0  }
0x16: {  	s3 =	sld [smem:$0x3FDB];
	s0 =	simm.s32 @p2 $0x1  }
0x17: {  	s4 =	simm.s32 $0x1BF5;
	[smem:$0x3FBB] =	sst s0  }
0x18: {  	s0 =	sld [smem:$0x3F9E];
	_ =	swait.ge [sflag:s4], $0x0  }
0x19: {  	s7 =	sld [smem:$0x3F9F]  }
0x1a: {  	s8 =	sadd.s32 $0xFFFFE003, lr  }
0x1b: {  	s9 =	sadd.s32 $0xFFFFFEF7, lr;
	s5 =	simm.s32 $0xFFFFFFFF;
	p2 =	slt.u32 s8, $0xFFFFF086  }
0x1c: {  	p1 =	slt.u32 s9, $0xF7A;
	s5 =	simm.s32 @!p2 $0x0  }
0x1d: {  	s5 =	simm.s32 @p1 $0x1;
	p0 =	seq.s32 s7, s2  }
0x1e: {  	s7 =	smul.u32 @!p0 $0xF7A, s2;
	p2 =	seq.s32 @!p0 s5, $0x0  }
0x1f: {  	s9 =	smul.u32 $0xF7A, s1;
	s8 =	simm.s32 @!p0 $0x1BF5;
	p2 =	por !p2, p0  }
0x20: {  	[sflag:s8] =	ssyncset.s32 @!p0 $0xFFFFF086;
	s6 =	sadd.s32 @!p0 s3, s7;
	s7 =	simm.s32 @!p0 $0x108  }
0x21: {  	s3 =	sadd.s32 s3, s9;
	s6 =	sadd.s32 @!p0 $0x88, s6;
	s7 =	simm.s32 @p2 $0x1082  }
0x22: {  	[simem:s7], [sflag:s8] =	dma.local @!p0 [hbm:s6], $0xF7A  }
0x23: {  	s9 =	sor.u32 $0xD0000000, s2;
	s6 =	simm.s32 $0x108;
	_ =	swait.ge @!p0 [sflag:s8], $0x0  }
0x24: {  	s3 =	sadd.s32 $0x88, s3;
	s6 =	simm.s32 @!p1 $0x1082;
	[sflag:s4] =	ssyncset.s32 $0xFFFFF086  }
0x25: {  	[simem:s6], [sflag:s4] =	dma.local [hbm:s3], $0xF7A  }
0x26: {  	[smem:$0x3F9F] =	sst s1;
	(tag) =	ssettag s2;
	_ =	strace s9  }
0x27: {  	s1 =	sld [smem:$0x3FAF]  }
0x28: {  	s2 =	sld [smem:$0x3FB0]  }
0x29: {  	s4 =	sld [smem:$0x3FB2]  }
0x2a: {  	p0 =	seq.s32 s5, $0x0;
	s5 =	sld [smem:$0x3FB3]  }
0x2b: {  	s6 =	sld [smem:$0x3FB4]  }
0x2c: {  	s7 =	sld [smem:$0x3FB5]  }
0x2d: {  	s3 =	simm.s32 $0x108;
	s8 =	sld [smem:$0x3FB6]  }
0x2e: {  	s3 =	simm.s32 @!p0 $0x1082;
	s9 =	sld [smem:$0x3FB7]  }
0x2f: {  	lr =	sadd.s32 s0, s3;
	s0 =	sld [smem:$0x3FAE]  }
0x30: {  	s3 =	sld [smem:$0x3FB1]  }
0x31: {  	[smem:$0x3FBA] =	sst s10  }
0x32: {  	s10 =	sld [smem:$0x3FB8];
	_ =	sdelay $0x3  }
0x33: {  	p0 =	seq.s32 s10, $0x1;
	s10 =	sld [smem:$0x3FBA];
	_ =	sdelay $0x3  }
0x34: {  	[smem:$0x3FBA] =	sst s10  }
0x35: {  	s10 =	sld [smem:$0x3FB9];
	_ =	sdelay $0x3  }
0x36: {  	p1 =	seq.s32 s10, $0x1;
	s10 =	sld [smem:$0x3FBA];
	_ =	sdelay $0x3  }
0x37: {  	[smem:$0x3FBA] =	sst s10  }
0x38: {  	s10 =	sld [smem:$0x3FBB]  }
0x39: {  	_ = 	snop;
	(pc) =	sbr.ind lr, $3  }
0x3a: {  	_ = 	snop  }
0x3b: {  	_ = 	snop  }
0x3c: {  	p2 =	seq.s32 s10, $0x1;
	s10 =	sld [smem:$0x3FBA]  }
0x3d: {  	_ =	shalt  }
0x3e: {  	_ =	shalt  }
0x3f: {  	_ =	shalt  }
0x40: {  	_ =	shalt  }
0x41: {  	_ =	shalt  }
0x42: {  	_ =	shalt  }
0x43: {  	_ =	shalt  }
0x44: {  	_ =	shalt  }
0x45: {  	_ =	shalt  }
0x46: {  	_ =	shalt  }
0x47: {  	_ =	shalt  }
0x48: {  	_ =	shalt  }
0x49: {  	_ =	shalt  }
0x4a: {  	_ =	shalt  }
0x4b: {  	_ =	shalt  }
0x4c: {  	_ =	shalt  }
0x4d: {  	_ =	shalt  }
0x4e: {  	_ =	shalt  }
0x4f: {  	_ =	shalt  }
0x50: {  	_ =	shalt  }
0x51: {  	_ =	shalt  }
0x52: {  	_ =	shalt  }
0x53: {  	_ =	shalt  }
0x54: {  	_ =	shalt  }
0x55: {  	_ =	shalt  }
0x56: {  	_ =	shalt  }
0x57: {  	_ =	shalt  }
0x58: {  	_ =	shalt  }
0x59: {  	_ =	shalt  }
0x5a: {  	_ =	shalt  }
0x5b: {  	_ =	shalt  }
0x5c: {  	_ =	shalt  }
0x5d: {  	_ =	shalt  }
0x5e: {  	_ =	shalt  }
0x5f: {  	_ =	shalt  }
0x60: {  	_ =	shalt  }
0x61: {  	_ =	shalt  }
0x62: {  	_ =	shalt  }
0x63: {  	_ =	shalt  }
0x64: {  	_ =	shalt  }
0x65: {  	_ =	shalt  }
0x66: {  	_ =	shalt  }
0x67: {  	_ =	shalt  }
0x68: {  	_ =	shalt  }
0x69: {  	_ =	shalt  }
0x6a: {  	_ =	shalt  }
0x6b: {  	_ =	shalt  }
0x6c: {  	_ =	shalt  }
0x6d: {  	_ =	shalt  }
0x6e: {  	_ =	shalt  }
0x6f: {  	_ =	shalt  }
0x70: {  	_ =	shalt  }
0x71: {  	_ =	shalt  }
0x72: {  	_ =	shalt  }
0x73: {  	_ =	shalt  }
0x74: {  	_ =	shalt  }
0x75: {  	_ =	shalt  }
0x76: {  	_ =	shalt  }
0x77: {  	_ =	shalt  }
0x78: {  	_ =	shalt  }
0x79: {  	_ =	shalt  }
0x7a: {  	_ =	shalt  }
0x7b: {  	_ =	shalt  }
0x7c: {  	_ =	shalt  }
0x7d: {  	_ =	shalt  }
0x7e: {  	_ =	shalt  }
0x7f: {  	_ =	shalt  }
0x80: {  	_ =	shalt  }
0x81: {  	_ =	shalt  }
0x82: {  	_ =	shalt  }
0x83: {  	_ =	shalt  }
0x84: {  	_ =	shalt  }
0x85: {  	_ =	shalt  }
0x86: {  	_ =	shalt  }
0x87: {  	_ =	shalt  }
.Lfunc_end0:
.L_simem_size_0:
called_computation_lowered:
.L_overlay_start_0:
0x88: {  	s2 =	sld [smem:$0x3FD9]  }
0x89: {  	s3 =	sld [smem:$0x3FFE];
	_ =	sdelay $0x1  }
0x8a: {  	s1 =	srdreg.scid  }
0x8b: {  	s0 =	sand.u32 $0x1, s1  }
0x8c: {  	s17 =	sshll.u32 s0, $0xA;
	s2 =	sadd.s32 s3, s2  }
0x8d: {  	s2 =	sadd.s32 s2, s17  }
0x8e: {  	[smem:$0x3FC6] =	sst s2  }
0x8f: {  	_ = 	snop  }
0x90: {  	s2 =	sld [smem:$0x3FC9]  }
0x91: {  	s18 =	sld [smem:$0x3FD0];
	(tm) =	ssettm $0x1  }
0x92: {  	s4 =	sld [smem:$0x3FFB];
	_ =	sdelay $0x3  }
0x93: {  	_ =	strace s4  }
0x94: {  	s4 =	sld [smem:$0x3FFC];
	_ =	sdelay $0x3  }
0x95: {  	_ =	strace s4  }
0x96: {  	s4 =	sld [smem:$0x3FFD];
	_ =	sdelay $0x3  }
0x97: {  	_ =	strace s4  }
0x98: {  	_ =	strace $0x8FFFFFFF  }
0x99: {  	s19 =	sld [smem:$0x3FDB];
	_ =	sdelay $0x1  }
0x9a: {  	s5 =	simm.s32 $_scs_section_size  }
0x9b: {  	s6 =	simm.s32 $_size__tile_overlayer_lowered;
	s7 =	simm.s32 $_tile_overlayer_lowered  }
0x9c: {  	s22 =	simm.s32 $0x1BFF;
	s21 =	sshll.u32 s7, $0x1;
	s4 =	sadd.s32 s5, s19  }
0x9d: {  	s8 =	simm.s32 $0x0;
	s20 =	sshll.u32 s6, $0x1;
	s6 =	sadd.s32 s21, s4  }
0x9e: {  	[timem:s8], [sflag:s22] =	dma.local [hbm:s6], s20  }
0x9f: {  	_ =	swait.ge [sflag:s22], s20  }
0xa0: {  	s5 =	ssub.s32 $0x0, s20;
	[sflag:s22] =	ssyncset.done $0x0  }
0xa1: {  	[sflag:s22] =	ssyncadd.s32 s5;
	_ =	sdelay $0x1  }
0xa2: {  	s23 =	simm.s32 $0x1B8B  }
0xa3: {  	_ =	swait.ge [sflag:s23], $0x1  }
0xa4: {  	[sflag:s23] =	ssyncset.done $0x0  }
0xa5: {  	s25 =	simm.s32 $0x1B8E;
	s24 =	sld [smem:$0x3FFE];
	[sflag:s23] =	ssyncadd.s32 $0xFFFFFFFF  }
0xa6: {  	s26 =	simm.s32 $execute0_lowered;
	[smem:$0x3FD2] =	sst s25  }
0xa7: {  	s6 =	sshll.u32 s26, $0x1;
	_ =	strace $0x80000046;
	[dreg:$0x1] =	wrdreg $0xFFFFFFFF  }
0xa8: {  	s28 =	simm.s32 $_size_execute0_lowered;
	s4 =	sadd.s32 s4, s6;
	[dreg:$0x0] =	wrdreg $0x0  }
0xa9: {  	s6 =	sshll.u32 s28, $0x1;
	[dreg:$0x2] =	wrdreg s4  }
0xaa: {  	[dreg:$0x3] =	wrdreg s6  }
0xab: {  	[dreg:$0x4] =	wrdreg $0xC0  }
0xac: {  	_ =	task [dreg:s8], $0x5FFFF  }
0xad: {  	[dreg:$0x1] =	wrdreg $0xFFFFFFFF  }
0xae: {  	[dreg:$0x0] =	wrdreg $0x60  }
0xaf: {  	[dreg:$0x2] =	wrdreg s2  }
0xb0: {  	[dreg:$0x3] =	wrdreg s24  }
0xb1: {  	[dreg:$0x4] =	wrdreg s18  }
0xb2: {  	[dreg:$0x5] =	wrdreg $0x9  }
0xb3: {  	_ =	task.clear_ibuf [dreg:s8], $0x6FFFF;
	_ =	strace $0x90000046  }
0xb4: {  	s29 =	simm.s32 $0x9;
	_ =	strace $0x80000048  }
0xb5: {  	_ =	swait.ge [sflag:s29], $0x1  }
0xb6: {  	[sflag:s29] =	ssyncadd.s32 $0xFFFFFFFF  }
0xb7: {  	_ =	strace $0x90000048  }
0xb8: {  	_ =	sfence  }
0xb9: {  	s30 =	sld [smem:$0x0];
	_ =	sdelay $0x2  }
0xba: {  	s31 =	sshll.u32 s1, $0xD;
	s1 =	sshrl.u32 s1, $0x2  }
0xbb: {  	s3 =	sand.u32 $0x4000, s31;
	s1 =	sadd.s32 s1, s30  }
0xbc: {  	s0 =	sor.u32 s3, s0;
	s1 =	sshll.u32 s1, $0x11  }
0xbd: {  	s0 =	sor.u32 s1, s0  }
0xbe: {  	s0 =	sadd.s32 $0x8F2B, s0  }
0xbf: {  	[sflag:s0] =	ssyncadd.remote.s32 $0x1  }
0xc0: {  	_ =	sfence.sel $0xFFFF  }
0xc1: {  	[dreg:$0x0] =	wrdreg $0xFFFFFFFF;
	(pc) =	sbr.abs _section_cstart, $3  }
0xc2: {  	[dreg:$0x1] =	wrdreg $0xFFFFFFFF  }
0xc3: {  	_ =	task.clear_ibuf [dreg:s8], $0x2FFFF;
	_ =	strace $0x9FFFFFFF  }
0xc4: {  	(tm) =	ssettm $0x7FFFFFFF  }
0xc5: {  	_ =	shalt  }
tec
execute0_lowered:
.L_overlay_start_1:
0x0: {  	(tag) =	ssettag $0x1  }
0x1: {  	s5 =	rddreg [dreg:$0x0]  }
0x2: {  	s4 =	rddreg [dreg:$0x1]  }
0x3: {  	s1 =	srdreg.scid;
	s0 =	stileid.u32  }
0x4: {  	s2 =	rddreg [dreg:$0x2];
	s3 =	simm.s32 $0x0;
	s10 =	simm.s32 $0x6400  }
0x5: {  	s11 =	simm.s32 $0x1;
	s12 =	simm.s32 $0xA400;
	s13 =	simm.s32 $0xE400  }
0x6: {  	s14 =	simm.s32 $0x2;
	s15 =	simm.s32 $0x16400;
	s16 =	simm.s32 $0x3  }
0x7: {  	s17 =	simm.s32 $0x4;
	s6 =	sand.u32 $0x1, s1;
	s7 =	sshll.u32 s0, $0x1  }
0x8: {  	s18 =	simm.s32 $0x0;
	s1 =	rddreg [dreg:$0x3];
	s7 =	sor.u32 s6, s7  }
0x9: {  	[smem:$0x7FF] =	sst s3;
	s6 =	ssub.s32 $0x2, s6;
	s8 =	smul.u32 $0xC80, s7  }
0xa: {  	s4 =	sadd.s32 $0xF42800, s4;
	_ =	strace $0x80000047;
	s9 =	sshrl.u32 s6, $0x1  }
0xb: {  	s9 =	ssub.s32 s6, s9;
	s6 =	smul.u32 $0x320000, s7;
	s5 =	sadd.s32 s5, s8  }
0xc: {  	s7 =	smax.u32 s9, $0x1;
	s8 =	simm.s32 $0x5;
	s9 =	simm.s32 $0x100  }
.LBB2_1:
0xd: {  	[tilespmem:s3], [sflag:$0x5] =	stream.linear.gather [hbm4b:s5+s3], $0x6400, $0x38;
	[tilespmem:$0x1E400] =	vst v63  }
0xe: {  	_ =	swait.ge [sflag:s8], $0x6400  }
0xf: {  	[sflag:s8] =	ssyncset.done $0x0  }
0x10: {  	s19 =	simm.s32 $0x0;
	[sflag:s8] =	ssyncadd.s32 $0xFFFF9C00  }
0x11: {  	[tilespmem:s10], [sflag:$0x1] =	stream.indirect.gather [hbm4b:s4+s9], $0x40, s3, s9, $0xb8;
	[tilespmem:$0x1E400] =	vst v63  }
.LBB2_2:
0x12: {  	_ =	swait.ge [sflag:s11], $0x4000;
	s20 =	sshllo.u32 s19, $0x1  }
0x13: {  	[sflag:s11] =	ssyncset.done $0x0;
	s21 =	sshll.u32 s20, $0x8  }
0x14: {  	p0 =	seq.s32 s19, $0x0;
	[sflag:s11] =	ssyncadd.s32 $0xFFFFC000;
	s21 =	sand.u32 $0x3FFFFF00, s21  }
0x15: {  	[tilespmem:s12], [sflag:$0x2] =	stream.indirect.gather [hbm4b:s4+s9], $0x40, s21, s9, $0xb8;
	[tilespmem:$0x1E400] =	vst v63  }
0x16: {  	s21 =	simm.s32 @!p0 $0x3  }
0x17: {  	_ =	swait.ge @!p0 [sflag:s21], $0x8000  }
0x18: {  	[sflag:s21] =	ssyncset.done @!p0 $0x0  }
0x19: {  	s26 =	simm.s32 $0x6480;
	[sflag:s21] =	ssyncadd.s32 @!p0 $0xFFFF8000  }
0x1a: {  	v0 =	vld [tilespmem:s26+$0x40];
	_ =	sdelay $0x3  }
0x1b: {  	v1 =	vld [tilespmem:s26+$0xFFFFFF80]  }
0x1c: {  	v2 =	vld [tilespmem:s26+$0xFFFFFFC0];
	v0 =	vmul.f32 $8.000000000e+00, v0  }
0x1d: {  	s21 =	simm.s32 $0xE500;
	v3 =	vld [tilespmem:s26+$0x0]  }
0x1e: {  	[tilespmem:s21+$0x80] =	vst v0  }
0x1f: {  	v0 =	vld [tilespmem:s26+$0x50]  }
0x20: {  	v1 =	vmul.f32 $8.000000000e+00, v1  }
0x21: {  	v2 =	vmul.f32 $8.000000000e+00, v2  }
0x22: {  	v3 =	vmul.f32 $8.000000000e+00, v3;
	[tilespmem:s21+$0xFFFFFF00] =	vst v1  }
0x23: {  	[tilespmem:s21+$0xFFFFFF80] =	vst v2;
	v1 =	vld [tilespmem:s26+$0xFFFFFF90]  }
0x24: {  	[tilespmem:s21+$0x0] =	vst v3;
	v2 =	vld [tilespmem:s26+$0xFFFFFFD0];
	v0 =	vmul.f32 $8.000000000e+00, v0  }
0x25: {  	s22 =	simm.s32 $0x6580;
	v3 =	vld [tilespmem:s26+$0x10]  }
0x26: {  	[tilespmem:s21+$0x90] =	vst v0;
	v0 =	vld [tilespmem:s22+$0x40]  }
0x27: {  	v4 =	vld [tilespmem:s26+$0x60]  }
0x28: {  	v5 =	vld [tilespmem:s22+$0xFFFFFFC0];
	v1 =	vmul.f32 $8.000000000e+00, v1  }
0x29: {  	v6 =	vld [tilespmem:s22+$0x0];
	v2 =	vmul.f32 $8.000000000e+00, v2  }
0x2a: {  	v3 =	vmul.f32 $8.000000000e+00, v3;
	[tilespmem:s21+$0xFFFFFF10] =	vst v1;
	v1 =	vld [tilespmem:s22+$0xFFFFFF80]  }
0x2b: {  	[tilespmem:s21+$0xFFFFFF90] =	vst v2;
	v2 =	vld [tilespmem:s26+$0xFFFFFFA0];
	v0 =	vmul.f32 $8.000000000e+00, v0  }
0x2c: {  	s23 =	simm.s32 $0xE700;
	[tilespmem:s21+$0x10] =	vst v3;
	v7 =	vld [tilespmem:s26+$0xFFFFFFE0];
	v3 =	vmul.f32 $8.000000000e+00, v4  }
0x2d: {  	v4 =	vmul.f32 $8.000000000e+00, v5;
	[tilespmem:s23+$0x80] =	vst v0;
	v0 =	vld [tilespmem:s26+$0x20]  }
0x2e: {  	v5 =	vmul.f32 $8.000000000e+00, v6;
	v6 =	vld [tilespmem:s22+$0x50];
	[tilespmem:s21+$0xA0] =	vst v3  }
0x2f: {  	v1 =	vmul.f32 $8.000000000e+00, v1;
	[tilespmem:s23+$0xFFFFFF80] =	vst v4;
	v8 =	vld [tilespmem:s26+$0x70]  }
0x30: {  	v2 =	vmul.f32 $8.000000000e+00, v2;
	[tilespmem:s23+$0x0] =	vst v5;
	v9 =	vld [tilespmem:s22+$0xFFFFFFD0]  }
0x31: {  	[tilespmem:s23+$0xFFFFFF00] =	vst v1;
	v5 =	vmul.f32 $8.000000000e+00, v7;
	v3 =	vld [tilespmem:s22+$0x10]  }
0x32: {  	v4 =	vld [tilespmem:s22+$0xFFFFFF90];
	[tilespmem:s21+$0xFFFFFF20] =	vst v2;
	v2 =	vmul.f32 $8.000000000e+00, v0  }
0x33: {  	v1 =	vld [tilespmem:s26+$0xFFFFFFB0];
	[tilespmem:s21+$0xFFFFFFA0] =	vst v5;
	v7 =	vmul.f32 $8.000000000e+00, v6  }
0x34: {  	v0 =	vld [tilespmem:s26+$0xFFFFFFF0];
	[tilespmem:s21+$0x20] =	vst v2;
	v5 =	vmul.f32 $8.000000000e+00, v8  }
0x35: {  	s24 =	simm.s32 $0x4;
	s25 =	simm.s32 $0x6680;
	v6 =	vmul.f32 $8.000000000e+00, v9;
	[tilespmem:s23+$0x90] =	vst v7;
	v2 =	vld [tilespmem:s26+$0x30]  }
.LBB2_3:
0x36: {  	v7 =	vld [tilespmem:s25+$0x40];
	v3 =	vmul.f32 $8.000000000e+00, v3;
	[tilespmem:s21+$0xB0] =	vst v5  }
0x37: {  	s24 =	sadd.s32 $0x4, s24;
	v4 =	vmul.f32 $8.000000000e+00, v4;
	[tilespmem:s23+$0xFFFFFF90] =	vst v6;
	v5 =	vld [tilespmem:s22+$0x60]  }
0x38: {  	p0 =	slt.u32 s24, $0xFC;
	v6 =	vld [tilespmem:s25+$0xFFFFFFC0];
	[tilespmem:s23+$0x10] =	vst v3;
	v1 =	vmul.f32 $8.000000000e+00, v1  }
0x39: {  	v3 =	vld [tilespmem:s25+$0x0];
	[tilespmem:s23+$0xFFFFFF10] =	vst v4;
	v0 =	vmul.f32 $8.000000000e+00, v0  }
0x3a: {  	v4 =	vld [tilespmem:s25+$0xFFFFFF80];
	[tilespmem:s21+$0xFFFFFF30] =	vst v1;
	v1 =	vmul.f32 $8.000000000e+00, v2  }
0x3b: {  	v2 =	vmul.f32 $8.000000000e+00, v7;
	v7 =	vld [tilespmem:s22+$0xFFFFFFA0];
	[tilespmem:s21+$0xFFFFFFB0] =	vst v0  }
0x3c: {  	v0 =	vld [tilespmem:s22+$0xFFFFFFE0];
	v5 =	vmul.f32 $8.000000000e+00, v5;
	[tilespmem:s21+$0x30] =	vst v1;
	s21 =	smov.u32 s23;
	s23 =	sadd.s32 $0x200, s23  }
0x3d: {  	v1 =	vmul.f32 $8.000000000e+00, v6;
	[tilespmem:s23+$0x80] =	vst v2;
	v2 =	vld [tilespmem:s22+$0x20]  }
0x3e: {  	v3 =	vmul.f32 $8.000000000e+00, v3;
	v6 =	vld [tilespmem:s25+$0x50];
	[tilespmem:s21+$0xA0] =	vst v5  }
0x3f: {  	v4 =	vmul.f32 $8.000000000e+00, v4;
	[tilespmem:s23+$0xFFFFFF80] =	vst v1;
	v5 =	vld [tilespmem:s22+$0x70]  }
0x40: {  	v8 =	vld [tilespmem:s25+$0xFFFFFFD0];
	[tilespmem:s23+$0x0] =	vst v3;
	v1 =	vmul.f32 $8.000000000e+00, v7  }
.Ltmp0:
0x41: {  	[tilespmem:s23+$0xFFFFFF00] =	vst v4;
	v3 =	vld [tilespmem:s25+$0x10];
	v0 =	vmul.f32 $8.000000000e+00, v0;
	(pc) =	sbr.rel @p0 .LBB2_3-.Ltmp0, $4  }
0x42: {  	v4 =	vld [tilespmem:s25+$0xFFFFFF90];
	[tilespmem:s21+$0xFFFFFF20] =	vst v1;
	v2 =	vmul.f32 $8.000000000e+00, v2  }
0x43: {  	v7 =	vmul.f32 $8.000000000e+00, v6;
	v1 =	vld [tilespmem:s22+$0xFFFFFFB0];
	[tilespmem:s21+$0xFFFFFFA0] =	vst v0  }
0x44: {  	v0 =	vld [tilespmem:s22+$0xFFFFFFF0];
	[tilespmem:s21+$0x20] =	vst v2;
	v5 =	vmul.f32 $8.000000000e+00, v5  }
0x45: {  	v6 =	vmul.f32 $8.000000000e+00, v8;
	[tilespmem:s23+$0x90] =	vst v7;
	v2 =	vld [tilespmem:s22+$0x30];
	s22 =	smov.u32 s25;
	s25 =	sadd.s32 $0x100, s25  }
0x46: {  	_ = 	snop  }
0x47: {  	v4 =	vmul.f32 $8.000000000e+00, v4;
	_ =	sdelay $0x1  }
0x48: {  	v3 =	vmul.f32 $8.000000000e+00, v3;
	v7 =	vld [tilespmem:s22+$0x60];
	[tilespmem:s23+$0xFFFFFF10] =	vst v4  }
0x49: {  	[tilespmem:s23+$0xFFFFFF90] =	vst v6;
	v4 =	vld [tilespmem:s22+$0xFFFFFFA0]  }
0x4a: {  	[tilespmem:s23+$0x10] =	vst v3;
	v3 =	vld [tilespmem:s22+$0xFFFFFFE0]  }
0x4b: {  	v6 =	vld [tilespmem:s22+$0x20];
	_ =	sdelay $0x1  }
0x4c: {  	v7 =	vmul.f32 $8.000000000e+00, v7  }
0x4d: {  	v4 =	vmul.f32 $8.000000000e+00, v4  }
0x4e: {  	[tilespmem:s23+$0xA0] =	vst v7;
	v3 =	vmul.f32 $8.000000000e+00, v3  }
0x4f: {  	v6 =	vmul.f32 $8.000000000e+00, v6;
	[tilespmem:s23+$0xFFFFFF20] =	vst v4;
	v4 =	vld [tilespmem:s22+$0x70]  }
0x50: {  	[tilespmem:s23+$0xFFFFFFA0] =	vst v3;
	v3 =	vld [tilespmem:s22+$0xFFFFFFB0]  }
0x51: {  	v1 =	vmul.f32 $8.000000000e+00, v1;
	[tilespmem:s23+$0x20] =	vst v6;
	v6 =	vld [tilespmem:s22+$0xFFFFFFF0]  }
0x52: {  	[tilespmem:s21+$0xB0] =	vst v5;
	v0 =	vmul.f32 $8.000000000e+00, v0;
	v5 =	vld [tilespmem:s22+$0x30]  }
0x53: {  	[tilespmem:s21+$0xFFFFFF30] =	vst v1;
	v1 =	vmul.f32 $8.000000000e+00, v2  }
0x54: {  	[tilespmem:s21+$0xFFFFFFB0] =	vst v0;
	v0 =	vmul.f32 $8.000000000e+00, v4  }
0x55: {  	[tilespmem:s21+$0x30] =	vst v1;
	v1 =	vmul.f32 $8.000000000e+00, v3  }
0x56: {  	s31 =	sshll.u32 s19, $0x10;
	[tilespmem:s23+$0xB0] =	vst v0;
	v0 =	vmul.f32 $8.000000000e+00, v6  }
0x57: {  	s21 =	sadd.s32 s6, s31;
	[tilespmem:s23+$0xFFFFFF30] =	vst v1;
	v1 =	vmul.f32 $8.000000000e+00, v5  }
0x58: {  	s21 =	sshrl.u32 s21, $0x3;
	[tilespmem:s23+$0xFFFFFFB0] =	vst v0  }
0x59: {  	p0 =	seq.s32 s19, $0x31;
	s21 =	sadd.s32 s2, s21;
	[tilespmem:s23+$0x30] =	vst v1  }
0x5a: {  	[hbm4b:s21+s3] =	stream.linear.scatter [tilespmem:s13], [sflag:$0x3], $0x8000, $0x38;
	[tilespmem:$0x1E400] =	vst v63  }
0x5b: {  	p1 =	seq.s32 @!p0 s19, $0x0;
	s21 =	sshll.u32 @!p0 s19, $0x9;
	_ =	swait.ge [sflag:s14], $0x4000  }
0x5c: {  	s22 =	simm.s32 @!p0 $0x100;
	s21 =	sand.u32 @!p0 $0x3FFFFE00, s21;
	[sflag:s14] =	ssyncset.done $0x0  }
0x5d: {  	s23 =	simm.s32 @!p0 $0x6400;
	s21 =	sadd.s32 @!p0 $0x200, s21;
	[sflag:s14] =	ssyncadd.s32 $0xFFFFC000  }
0x5e: {  	[tilespmem:s23], [sflag:$0x1] =	stream.indirect.gather @!p0 [hbm4b:s4+s22], $0x40, s21, s22, $0xb8;
	[tilespmem:$0x1E400] =	vst v63  }
0x5f: {  	p0 =	por p0, !p1  }
0x60: {  	_ =	swait.ge @p0 [sflag:s17], $0x8000  }
0x61: {  	[sflag:s17] =	ssyncset.done @p0 $0x0  }
0x62: {  	s26 =	simm.s32 $0xA480;
	[sflag:s17] =	ssyncadd.s32 @p0 $0xFFFF8000  }
0x63: {  	v0 =	vld [tilespmem:s26+$0x40];
	_ =	sdelay $0x3  }
0x64: {  	v1 =	vld [tilespmem:s26+$0xFFFFFF80]  }
0x65: {  	v2 =	vld [tilespmem:s26+$0xFFFFFFC0];
	v0 =	vmul.f32 $8.000000000e+00, v0  }
0x66: {  	s21 =	simm.s32 $0x16500;
	v3 =	vld [tilespmem:s26+$0x0]  }
0x67: {  	[tilespmem:s21+$0x80] =	vst v0  }
0x68: {  	v0 =	vld [tilespmem:s26+$0x50]  }
0x69: {  	v1 =	vmul.f32 $8.000000000e+00, v1  }
0x6a: {  	v2 =	vmul.f32 $8.000000000e+00, v2  }
0x6b: {  	v3 =	vmul.f32 $8.000000000e+00, v3;
	[tilespmem:s21+$0xFFFFFF00] =	vst v1  }
0x6c: {  	[tilespmem:s21+$0xFFFFFF80] =	vst v2;
	v1 =	vld [tilespmem:s26+$0xFFFFFF90]  }
0x6d: {  	[tilespmem:s21+$0x0] =	vst v3;
	v2 =	vld [tilespmem:s26+$0xFFFFFFD0];
	v0 =	vmul.f32 $8.000000000e+00, v0  }
0x6e: {  	s22 =	simm.s32 $0xA580;
	v3 =	vld [tilespmem:s26+$0x10]  }
0x6f: {  	[tilespmem:s21+$0x90] =	vst v0;
	v0 =	vld [tilespmem:s22+$0x40]  }
0x70: {  	v4 =	vld [tilespmem:s26+$0x60]  }
0x71: {  	v5 =	vld [tilespmem:s22+$0xFFFFFFC0];
	v1 =	vmul.f32 $8.000000000e+00, v1  }
0x72: {  	v6 =	vld [tilespmem:s22+$0x0];
	v2 =	vmul.f32 $8.000000000e+00, v2  }
0x73: {  	v3 =	vmul.f32 $8.000000000e+00, v3;
	[tilespmem:s21+$0xFFFFFF10] =	vst v1;
	v1 =	vld [tilespmem:s22+$0xFFFFFF80]  }
0x74: {  	[tilespmem:s21+$0xFFFFFF90] =	vst v2;
	v2 =	vld [tilespmem:s26+$0xFFFFFFA0];
	v0 =	vmul.f32 $8.000000000e+00, v0  }
0x75: {  	s23 =	simm.s32 $0x16700;
	[tilespmem:s21+$0x10] =	vst v3;
	v7 =	vld [tilespmem:s26+$0xFFFFFFE0];
	v3 =	vmul.f32 $8.000000000e+00, v4  }
0x76: {  	v4 =	vmul.f32 $8.000000000e+00, v5;
	[tilespmem:s23+$0x80] =	vst v0;
	v0 =	vld [tilespmem:s26+$0x20]  }
0x77: {  	v5 =	vmul.f32 $8.000000000e+00, v6;
	v6 =	vld [tilespmem:s22+$0x50];
	[tilespmem:s21+$0xA0] =	vst v3  }
0x78: {  	v1 =	vmul.f32 $8.000000000e+00, v1;
	[tilespmem:s23+$0xFFFFFF80] =	vst v4;
	v8 =	vld [tilespmem:s26+$0x70]  }
0x79: {  	v2 =	vmul.f32 $8.000000000e+00, v2;
	[tilespmem:s23+$0x0] =	vst v5;
	v9 =	vld [tilespmem:s22+$0xFFFFFFD0]  }
0x7a: {  	[tilespmem:s23+$0xFFFFFF00] =	vst v1;
	v5 =	vmul.f32 $8.000000000e+00, v7;
	v3 =	vld [tilespmem:s22+$0x10]  }
0x7b: {  	v4 =	vld [tilespmem:s22+$0xFFFFFF90];
	[tilespmem:s21+$0xFFFFFF20] =	vst v2;
	v2 =	vmul.f32 $8.000000000e+00, v0  }
0x7c: {  	v1 =	vld [tilespmem:s26+$0xFFFFFFB0];
	[tilespmem:s21+$0xFFFFFFA0] =	vst v5;
	v7 =	vmul.f32 $8.000000000e+00, v6  }
0x7d: {  	v0 =	vld [tilespmem:s26+$0xFFFFFFF0];
	[tilespmem:s21+$0x20] =	vst v2;
	v5 =	vmul.f32 $8.000000000e+00, v8  }
0x7e: {  	s24 =	simm.s32 $0x4;
	s25 =	simm.s32 $0xA680;
	v6 =	vmul.f32 $8.000000000e+00, v9;
	[tilespmem:s23+$0x90] =	vst v7;
	v2 =	vld [tilespmem:s26+$0x30]  }
.LBB2_5:
0x7f: {  	v7 =	vld [tilespmem:s25+$0x40];
	v3 =	vmul.f32 $8.000000000e+00, v3;
	[tilespmem:s21+$0xB0] =	vst v5  }
0x80: {  	s24 =	sadd.s32 $0x4, s24;
	v4 =	vmul.f32 $8.000000000e+00, v4;
	[tilespmem:s23+$0xFFFFFF90] =	vst v6;
	v5 =	vld [tilespmem:s22+$0x60]  }
0x81: {  	p0 =	slt.u32 s24, $0xFC;
	v6 =	vld [tilespmem:s25+$0xFFFFFFC0];
	[tilespmem:s23+$0x10] =	vst v3;
	v1 =	vmul.f32 $8.000000000e+00, v1  }
0x82: {  	v3 =	vld [tilespmem:s25+$0x0];
	[tilespmem:s23+$0xFFFFFF10] =	vst v4;
	v0 =	vmul.f32 $8.000000000e+00, v0  }
0x83: {  	v4 =	vld [tilespmem:s25+$0xFFFFFF80];
	[tilespmem:s21+$0xFFFFFF30] =	vst v1;
	v1 =	vmul.f32 $8.000000000e+00, v2  }
0x84: {  	v2 =	vmul.f32 $8.000000000e+00, v7;
	v7 =	vld [tilespmem:s22+$0xFFFFFFA0];
	[tilespmem:s21+$0xFFFFFFB0] =	vst v0  }
0x85: {  	v0 =	vld [tilespmem:s22+$0xFFFFFFE0];
	v5 =	vmul.f32 $8.000000000e+00, v5;
	[tilespmem:s21+$0x30] =	vst v1;
	s21 =	smov.u32 s23;
	s23 =	sadd.s32 $0x200, s23  }
0x86: {  	v1 =	vmul.f32 $8.000000000e+00, v6;
	[tilespmem:s23+$0x80] =	vst v2;
	v2 =	vld [tilespmem:s22+$0x20]  }
0x87: {  	v3 =	vmul.f32 $8.000000000e+00, v3;
	v6 =	vld [tilespmem:s25+$0x50];
	[tilespmem:s21+$0xA0] =	vst v5  }
0x88: {  	v4 =	vmul.f32 $8.000000000e+00, v4;
	[tilespmem:s23+$0xFFFFFF80] =	vst v1;
	v5 =	vld [tilespmem:s22+$0x70]  }
0x89: {  	v8 =	vld [tilespmem:s25+$0xFFFFFFD0];
	[tilespmem:s23+$0x0] =	vst v3;
	v1 =	vmul.f32 $8.000000000e+00, v7  }
.Ltmp1:
0x8a: {  	[tilespmem:s23+$0xFFFFFF00] =	vst v4;
	v3 =	vld [tilespmem:s25+$0x10];
	v0 =	vmul.f32 $8.000000000e+00, v0;
	(pc) =	sbr.rel @p0 .LBB2_5-.Ltmp1, $4  }
0x8b: {  	v4 =	vld [tilespmem:s25+$0xFFFFFF90];
	[tilespmem:s21+$0xFFFFFF20] =	vst v1;
	v2 =	vmul.f32 $8.000000000e+00, v2  }
0x8c: {  	v7 =	vmul.f32 $8.000000000e+00, v6;
	v1 =	vld [tilespmem:s22+$0xFFFFFFB0];
	[tilespmem:s21+$0xFFFFFFA0] =	vst v0  }
0x8d: {  	v0 =	vld [tilespmem:s22+$0xFFFFFFF0];
	[tilespmem:s21+$0x20] =	vst v2;
	v5 =	vmul.f32 $8.000000000e+00, v5  }
0x8e: {  	v6 =	vmul.f32 $8.000000000e+00, v8;
	[tilespmem:s23+$0x90] =	vst v7;
	v2 =	vld [tilespmem:s22+$0x30];
	s22 =	smov.u32 s25;
	s25 =	sadd.s32 $0x100, s25  }
0x8f: {  	v3 =	vmul.f32 $8.000000000e+00, v3  }
0x90: {  	v7 =	vld [tilespmem:s22+$0x60];
	v4 =	vmul.f32 $8.000000000e+00, v4;
	[tilespmem:s23+$0xFFFFFF90] =	vst v6  }
0x91: {  	[tilespmem:s23+$0x10] =	vst v3;
	v53 =	vld [tilespmem:s22+$0xFFFFFFE0]  }
0x92: {  	[tilespmem:s23+$0xFFFFFF10] =	vst v4;
	v54 =	vld [tilespmem:s22+$0x20]  }
0x93: {  	v4 =	vld [tilespmem:s22+$0xFFFFFFA0];
	_ =	sdelay $0x1  }
0x94: {  	v7 =	vmul.f32 $8.000000000e+00, v7  }
0x95: {  	v3 =	vmul.f32 $8.000000000e+00, v53  }
0x96: {  	[tilespmem:s23+$0xA0] =	vst v7;
	v6 =	vmul.f32 $8.000000000e+00, v54  }
0x97: {  	v55 =	vld [tilespmem:s22+$0x70];
	v4 =	vmul.f32 $8.000000000e+00, v4;
	[tilespmem:s23+$0xFFFFFFA0] =	vst v3  }
0x98: {  	[tilespmem:s23+$0x20] =	vst v6;
	v57 =	vld [tilespmem:s22+$0xFFFFFFF0]  }
0x99: {  	v1 =	vmul.f32 $8.000000000e+00, v1;
	[tilespmem:s23+$0xFFFFFF20] =	vst v4;
	v58 =	vld [tilespmem:s22+$0x30]  }
0x9a: {  	[tilespmem:s21+$0xB0] =	vst v5;
	v0 =	vmul.f32 $8.000000000e+00, v0;
	v56 =	vld [tilespmem:s22+$0xFFFFFFB0]  }
0x9b: {  	[tilespmem:s21+$0xFFFFFF30] =	vst v1;
	v59 =	vmul.f32 $8.000000000e+00, v2  }
0x9c: {  	s19 =	sadd.s32 $0x1, s19;
	[tilespmem:s21+$0xFFFFFFB0] =	vst v0;
	v60 =	vmul.f32 $8.000000000e+00, v55  }
0x9d: {  	p0 =	sne.s32 s19, $0x32;
	[tilespmem:s21+$0x30] =	vst v59;
	v62 =	vmul.f32 $8.000000000e+00, v57  }
.Ltmp2:
0x9e: {  	s20 =	sshll.u32 s20, $0xF;
	[tilespmem:s23+$0xB0] =	vst v60;
	v63 =	vmul.f32 $8.000000000e+00, v58;
	(pc) =	sbr.rel @p0 .LBB2_2-.Ltmp2, $4  }
0x9f: {  	s20 =	sadd.s32 s6, s20;
	v61 =	vmul.f32 $8.000000000e+00, v56;
	[tilespmem:s23+$0xFFFFFFB0] =	vst v62  }
0xa0: {  	s20 =	sshrl.u32 s20, $0x3;
	[tilespmem:s23+$0x30] =	vst v63  }
0xa1: {  	s20 =	sadd.s32 s2, s20;
	[tilespmem:s23+$0xFFFFFF30] =	vst v61  }
0xa2: {  	[hbm4b:s20+s3] =	stream.linear.scatter [tilespmem:s15], [sflag:$0x4], $0x8000, $0x38;
	[tilespmem:$0x1E400] =	vst v63  }
0xa3: {  	s18 =	sadd.s32 $0x1, s18  }
0xa4: {  	_ =	swait.ge [sflag:s16], $0x8000;
	p0 =	sne.s32 s18, s7  }
.Ltmp3:
0xa5: {  	[sflag:s16] =	ssyncset.done $0x0;
	(pc) =	sbr.rel @p0 .LBB2_1-.Ltmp3, $4  }
0xa6: {  	[sflag:s16] =	ssyncadd.s32 $0xFFFF8000  }
0xa7: {  	_ =	swait.ge [sflag:s17], $0x8000  }
0xa8: {  	[sflag:s17] =	ssyncset.done $0x0  }
0xa9: {  	[sflag:s17] =	ssyncadd.s32 $0xFFFF8000  }
0xaa: {  	_ =	sfence.sel $0x180000  }
0xab: {  	[bflag:$0x0] =	sbarrier.arrive $0xFFFF  }
0xac: {  	p0 =	sne.s32 s0, $0x0;
	_ =	strace $0x90000047  }
0xad: {  	s0 =	sadd.s32 @!p0 $0x100000, s1;
	[bflag:$0x2] =	sbarrier.arrive $0xFFFF  }
0xae: {  	[sflag:s0] =	ssyncadd.tile.s32 @!p0 $0x1;
	_ =	shalt  }
.Lfunc_end2:
_tile_overlayer_lowered:
.L_overlay_start_2:
0xaf: {  	(tag) =	ssettag $0x2  }
0xb0: {  	s0 =	rddreg [dreg:$0x0];
	s2 =	stileid.u32  }
0xb1: {  	s1 =	rddreg [dreg:$0x1];
	p0 =	sne.s32 s2, $0x0  }
0xb2: {  	s3 =	rddreg [dreg:$0x2];
	[bflag:$0x3] =	sbarrier.arrive $0xFFFF;
	s2 =	simm.s32 @!p0 $0x1C05  }
0xb3: {  	[timem:s3], [sflag:s2] =	dma.local @!p0 [hbm:s0], s1  }
0xb4: {  	s0 =	simm.s32 @!p0 $0x5  }
0xb5: {  	_ =	swait.ge @!p0 [sflag:s0], s1  }
0xb6: {  	s1 =	ssub.s32 @!p0 $0x0, s1;
	[sflag:s0] =	ssyncset.done @!p0 $0x0  }
0xb7: {  	[sflag:s0] =	ssyncadd.s32 @!p0 s1  }
0xb8: {  	[bflag:$0x3] =	sbarrier.arrive $0xFFFF  }
0xb9: {  	_ =	shalt  }

</sc_bundles>
